<compile_context>
chip_gen: v7x
topology: tpu7x:2x2x1
jax: 0.10.2.dev20260603
libtpu: 0.0.44.dev20260713+nightly
codegen_flags: <defaults>
</compile_context>

<pallas_src>
import functools

import jax
import jax.numpy as jnp
from jax import lax
from jax.experimental import pallas as pl
from jax.experimental.pallas import tpu as pltpu
from jax.experimental.pallas import tpu_sc as plsc

NUM_EMBEDDINGS = 100001
EMBED_DIM = 32
BATCH = 16384

_CH = 4096


def _make_gather():
    info = plsc.get_sparse_core_info()
    nc, ns, nl = info.num_cores, info.num_subcores, info.num_lanes
    nw = nc * ns
    n_chunks = BATCH // _CH
    mesh = plsc.VectorSubcoreMesh(core_axis_name="c", subcore_axis_name="s")

    @functools.partial(
        pl.kernel,
        mesh=mesh,
        compiler_params=pltpu.CompilerParams(needs_layout_passes=False),
        out_type=jax.ShapeDtypeStruct((EMBED_DIM, BATCH), jnp.float32),
        scratch_types=[
            pltpu.VMEM((NUM_EMBEDDINGS,), jnp.float32),
            pltpu.VMEM((BATCH,), jnp.int32),
            pltpu.VMEM((2, _CH), jnp.float32),
            pltpu.SemaphoreType.DMA,
            pltpu.SemaphoreType.DMA,
            pltpu.SemaphoreType.DMA,
        ],
    )
    def gather_kernel(
        table_hbm, idx_hbm, out_hbm, col_v, tit_v, res_v, csem, wsem0, wsem1
    ):
        wid = lax.axis_index("s") * nc + lax.axis_index("c")
        stage_col = pltpu.async_copy(table_hbm.at[wid], col_v, csem)
        stage_idx = pltpu.async_copy(idx_hbm, tit_v, csem)
        stage_col.wait()
        stage_idx.wait()

        wsems = (wsem0, wsem1)
        for t in range(n_chunks):
            buf = t % 2
            if t >= 2:
                pltpu.make_async_copy(
                    res_v.at[buf],
                    out_hbm.at[wid, pl.ds((t - 2) * _CH, _CH)],
                    wsems[buf],
                ).wait()

            def gstep(i, carry, t=t, buf=buf):
                idx = tit_v[pl.ds(t * _CH + i * nl, nl)]
                res_v[buf, pl.ds(i * nl, nl)] = plsc.load_gather(col_v, [idx])
                return carry

            lax.fori_loop(0, _CH // nl, gstep, 0)
            pltpu.async_copy(
                res_v.at[buf],
                out_hbm.at[wid, pl.ds(t * _CH, _CH)],
                wsems[buf],
            )
        for t in (n_chunks - 2, n_chunks - 1):
            buf = t % 2
            pltpu.make_async_copy(
                res_v.at[buf],
                out_hbm.at[wid, pl.ds(t * _CH, _CH)],
                wsems[buf],
            ).wait()

    return gather_kernel


def kernel(titles, embedding_table):
    gather_kernel = _make_gather()
    out_t = gather_kernel(embedding_table.T, titles)
    return out_t.T

# --- scband reference (transcript-rebuilt; emitter-appended) ---
"""Pipeline reference for scband-activity-model-8349416423682 (READ-ONLY COPY).

The authoritative reference and input builder live on the scoring server;
editing this copy changes nothing except your own understanding.
"""

import jax, jax.numpy as jnp
import numpy as np

NUM_EMBEDDINGS = 100001
EMBED_DIM = 32
BATCH = 16384

def setup_inputs(seed: int = 0) -> dict:
    key = jax.random.key(seed)
    k_idx, k_tab = jax.random.split(key)
    titles = jax.random.randint(k_idx, (BATCH,), 0, NUM_EMBEDDINGS, dtype=jnp.int64 if jax.config.jax_enable_x64 else jnp.int32).astype(jnp.int32)
    embedding_table = jax.random.normal(k_tab, (NUM_EMBEDDINGS, EMBED_DIM), dtype=jnp.float32) * 0.05
    return {"titles": titles, "embedding_table": embedding_table}

def reference(titles, embedding_table):
    # StringLookup is modeled as precomputed integer ids; Embedding is a gather.
    emb = jnp.take(embedding_table, titles, axis=0)  # [B, 32]
    # tf.concat([emb], axis=1) with a single element is identity
    out = jnp.concatenate([emb], axis=1)
    return out

if __name__ == "__main__":
    import jax
    _d = setup_inputs()
    print(jax.jit(kernel)(*tuple(_d.values())))

</pallas_src>

<mosaic_0001>
#map = affine_map<(d0, d1) -> (0, 0)>
#map1 = affine_map<(d0, d1) -> (0)>
module attributes {stable_mosaic.version = 14 : i64} {
  func.func @gather_kernel(%arg0: i32, %arg1: i32, %arg2: memref<32x100001xf32, #tpu.memory_space<hbm>>, %arg3: memref<16384xi32, #tpu.memory_space<hbm>>, %arg4: memref<32x16384xf32, #tpu.memory_space<hbm>>, %arg5: memref<100001xf32, #tpu.memory_space<vmem>>, %arg6: memref<16384xi32, #tpu.memory_space<vmem>>, %arg7: memref<2x4096xf32, #tpu.memory_space<vmem>>, %arg8: memref<!tpu.dma_semaphore, #tpu.memory_space<semaphore_mem>>, %arg9: memref<!tpu.dma_semaphore, #tpu.memory_space<semaphore_mem>>, %arg10: memref<!tpu.dma_semaphore, #tpu.memory_space<semaphore_mem>>) attributes {dimension_semantics = [#tpu.dimension_semantics<core_parallel>, #tpu.dimension_semantics<subcore_parallel>], iteration_bounds = array<i64: 2, 16>, scalar_prefetch = 0 : i64, scratch_operands = 6 : i64, tpu.core_type = #tpu.core_type<sc_vector_subcore>, window_params = [{transform_indices = #map}, {transform_indices = #map1}, {transform_indices = #map}]} {
    %mul3A = arith.constant 2 : i32
    %mul3A_0 = arith.muli %arg1, %mul3A : i32
    %add3A = arith.addi %mul3A_0, %arg0 : i32
    %dma_start3A = arith.constant 0 : i32
    %dma_start3A_1 = tpu.memref_slice %arg2[%add3A, %dma_start3A] : memref<32x100001xf32, #tpu.memory_space<hbm>> -> memref<1x100001xf32, #tpu.memory_space<hbm>>
    %dma_start3A_2 = tpu.memref_squeeze %dma_start3A_1 : memref<1x100001xf32, #tpu.memory_space<hbm>> -> memref<100001xf32, #tpu.memory_space<hbm>>
    %dma_start3A_3 = arith.constant 0 : i32
    %dma_start3A_4 = tpu.memref_slice %arg2[%add3A, %dma_start3A_3] : memref<32x100001xf32, #tpu.memory_space<hbm>> -> memref<1x100001xf32, #tpu.memory_space<hbm>>
    %dma_start3A_5 = tpu.memref_squeeze %dma_start3A_4 : memref<1x100001xf32, #tpu.memory_space<hbm>> -> memref<100001xf32, #tpu.memory_space<hbm>>
    tpu.enqueue_dma source(%dma_start3A_5 : memref<100001xf32, #tpu.memory_space<hbm>>) target(%arg5 : memref<100001xf32, #tpu.memory_space<vmem>>) target_semaphore(%arg8 : memref<!tpu.dma_semaphore, #tpu.memory_space<semaphore_mem>>)
    tpu.enqueue_dma source(%arg3 : memref<16384xi32, #tpu.memory_space<hbm>>) target(%arg6 : memref<16384xi32, #tpu.memory_space<vmem>>) target_semaphore(%arg8 : memref<!tpu.dma_semaphore, #tpu.memory_space<semaphore_mem>>)
    %dma_wait3A = arith.constant 0 : i32
    %dma_wait3A_6 = tpu.memref_slice %arg2[%add3A, %dma_wait3A] : memref<32x100001xf32, #tpu.memory_space<hbm>> -> memref<1x100001xf32, #tpu.memory_space<hbm>>
    %dma_wait3A_7 = tpu.memref_squeeze %dma_wait3A_6 : memref<1x100001xf32, #tpu.memory_space<hbm>> -> memref<100001xf32, #tpu.memory_space<hbm>>
    %dma_wait3A_8 = arith.constant 0 : i32
    %dma_wait3A_9 = tpu.memref_slice %arg2[%add3A, %dma_wait3A_8] : memref<32x100001xf32, #tpu.memory_space<hbm>> -> memref<1x100001xf32, #tpu.memory_space<hbm>>
    %dma_wait3A_10 = tpu.memref_squeeze %dma_wait3A_9 : memref<1x100001xf32, #tpu.memory_space<hbm>> -> memref<100001xf32, #tpu.memory_space<hbm>>
    tpu.wait_dma2 semaphore(%arg8 : memref<!tpu.dma_semaphore, #tpu.memory_space<semaphore_mem>>) src(%dma_wait3A_10 : memref<100001xf32, #tpu.memory_space<hbm>>) dst(%arg5 : memref<100001xf32, #tpu.memory_space<vmem>>)
    tpu.wait_dma2 semaphore(%arg8 : memref<!tpu.dma_semaphore, #tpu.memory_space<semaphore_mem>>) src(%arg3 : memref<16384xi32, #tpu.memory_space<hbm>>) dst(%arg6 : memref<16384xi32, #tpu.memory_space<vmem>>)
    %scan3A = arith.constant 0 : i32
    %scan3A_11 = arith.constant 0 : i32
    %scan3A_12 = arith.constant 256 : i32
    %scan3A_13 = arith.addi %scan3A_11, %scan3A_12 : i32
    %scan3A_14 = arith.constant 1 : i32
    scf.for %scan3A_138 = %scan3A_11 to %scan3A_13 step %scan3A_14  : i32 {
      %mul3A_139 = arith.constant 16 : i32
      %mul3A_140 = arith.muli %scan3A_138, %mul3A_139 : i32
      %add3A_141 = arith.constant 0 : i32
      %add3A_142 = arith.addi %add3A_141, %mul3A_140 : i32
      %get3A = arith.index_cast %add3A_142 : i32 to index
      %get3A_143 = tpu.vector_load %arg6[%get3A] {strides = array<i32>} : memref<16384xi32, #tpu.memory_space<vmem>>, vector<16xi32>,
      %gather3A = tpu.vector_load_idx %arg5[%get3A_143] : memref<100001xf32, #tpu.memory_space<vmem>>[vector<16xi32>], vector<16xf32>,
      %mul3A_144 = arith.constant 16 : i32
      %mul3A_145 = arith.muli %scan3A_138, %mul3A_144 : i32
      %swap3A = arith.constant 0 : i32
      %swap3A_146 = arith.index_cast %swap3A : i32 to index
      %swap3A_147 = arith.index_cast %mul3A_145 : i32 to index
      %swap3A_148 = tpu.vector_load %arg7[%swap3A_146, %swap3A_147] {strides = array<i32>} : memref<2x4096xf32, #tpu.memory_space<vmem>>, vector<16xf32>,
      tpu.vector_store %arg7[%swap3A_146, %swap3A_147], %gather3A {strides = array<i32>} : memref<2x4096xf32, #tpu.memory_space<vmem>>, vector<16xf32>,
    }
    %scan3A_15 = arith.constant 256 : i32
    %dma_start3A_16 = arith.constant 0 : i32
    %dma_start3A_17 = arith.constant 0 : i32
    %dma_start3A_18 = tpu.memref_slice %arg7[%dma_start3A_16, %dma_start3A_17] : memref<2x4096xf32, #tpu.memory_space<vmem>> -> memref<1x4096xf32, #tpu.memory_space<vmem>>
    %dma_start3A_19 = tpu.memref_squeeze %dma_start3A_18 : memref<1x4096xf32, #tpu.memory_space<vmem>> -> memref<4096xf32, #tpu.memory_space<vmem>>
    %dma_start3A_20 = arith.constant 0 : i32
    %dma_start3A_21 = tpu.memref_slice %arg4[%add3A, %dma_start3A_20] : memref<32x16384xf32, #tpu.memory_space<hbm>> -> memref<1x4096xf32, #tpu.memory_space<hbm>>
    %dma_start3A_22 = tpu.memref_squeeze %dma_start3A_21 : memref<1x4096xf32, #tpu.memory_space<hbm>> -> memref<4096xf32, #tpu.memory_space<hbm>>
    %dma_start3A_23 = arith.constant 0 : i32
    %dma_start3A_24 = tpu.memref_slice %arg4[%add3A, %dma_start3A_23] : memref<32x16384xf32, #tpu.memory_space<hbm>> -> memref<1x4096xf32, #tpu.memory_space<hbm>>
    %dma_start3A_25 = tpu.memref_squeeze %dma_start3A_24 : memref<1x4096xf32, #tpu.memory_space<hbm>> -> memref<4096xf32, #tpu.memory_space<hbm>>
    %dma_start3A_26 = arith.constant 0 : i32
    %dma_start3A_27 = tpu.memref_slice %arg7[%dma_start3A_16, %dma_start3A_26] : memref<2x4096xf32, #tpu.memory_space<vmem>> -> memref<1x4096xf32, #tpu.memory_space<vmem>>
    %dma_start3A_28 = tpu.memref_squeeze %dma_start3A_27 : memref<1x4096xf32, #tpu.memory_space<vmem>> -> memref<4096xf32, #tpu.memory_space<vmem>>
    tpu.enqueue_dma source(%dma_start3A_28 : memref<4096xf32, #tpu.memory_space<vmem>>) target(%dma_start3A_25 : memref<4096xf32, #tpu.memory_space<hbm>>) target_semaphore(%arg9 : memref<!tpu.dma_semaphore, #tpu.memory_space<semaphore_mem>>)
    %scan3A_29 = arith.constant 0 : i32
    %scan3A_30 = arith.constant 0 : i32
    %scan3A_31 = arith.constant 256 : i32
    %scan3A_32 = arith.addi %scan3A_30, %scan3A_31 : i32
    %scan3A_33 = arith.constant 1 : i32
    scf.for %scan3A_138 = %scan3A_30 to %scan3A_32 step %scan3A_33  : i32 {
      %mul3A_139 = arith.constant 16 : i32
      %mul3A_140 = arith.muli %scan3A_138, %mul3A_139 : i32
      %add3A_141 = arith.constant 4096 : i32
      %add3A_142 = arith.addi %add3A_141, %mul3A_140 : i32
      %get3A = arith.index_cast %add3A_142 : i32 to index
      %get3A_143 = tpu.vector_load %arg6[%get3A] {strides = array<i32>} : memref<16384xi32, #tpu.memory_space<vmem>>, vector<16xi32>,
      %gather3A = tpu.vector_load_idx %arg5[%get3A_143] : memref<100001xf32, #tpu.memory_space<vmem>>[vector<16xi32>], vector<16xf32>,
      %mul3A_144 = arith.constant 16 : i32
      %mul3A_145 = arith.muli %scan3A_138, %mul3A_144 : i32
      %swap3A = arith.constant 1 : i32
      %swap3A_146 = arith.index_cast %swap3A : i32 to index
      %swap3A_147 = arith.index_cast %mul3A_145 : i32 to index
      %swap3A_148 = tpu.vector_load %arg7[%swap3A_146, %swap3A_147] {strides = array<i32>} : memref<2x4096xf32, #tpu.memory_space<vmem>>, vector<16xf32>,
      tpu.vector_store %arg7[%swap3A_146, %swap3A_147], %gather3A {strides = array<i32>} : memref<2x4096xf32, #tpu.memory_space<vmem>>, vector<16xf32>,
    }
    %scan3A_34 = arith.constant 256 : i32
    %dma_start3A_35 = arith.constant 1 : i32
    %dma_start3A_36 = arith.constant 0 : i32
    %dma_start3A_37 = tpu.memref_slice %arg7[%dma_start3A_35, %dma_start3A_36] : memref<2x4096xf32, #tpu.memory_space<vmem>> -> memref<1x4096xf32, #tpu.memory_space<vmem>>
    %dma_start3A_38 = tpu.memref_squeeze %dma_start3A_37 : memref<1x4096xf32, #tpu.memory_space<vmem>> -> memref<4096xf32, #tpu.memory_space<vmem>>
    %dma_start3A_39 = arith.constant 4096 : i32
    %dma_start3A_40 = tpu.memref_slice %arg4[%add3A, %dma_start3A_39] : memref<32x16384xf32, #tpu.memory_space<hbm>> -> memref<1x4096xf32, #tpu.memory_space<hbm>>
    %dma_start3A_41 = tpu.memref_squeeze %dma_start3A_40 : memref<1x4096xf32, #tpu.memory_space<hbm>> -> memref<4096xf32, #tpu.memory_space<hbm>>
    %dma_start3A_42 = arith.constant 4096 : i32
    %dma_start3A_43 = tpu.memref_slice %arg4[%add3A, %dma_start3A_42] : memref<32x16384xf32, #tpu.memory_space<hbm>> -> memref<1x4096xf32, #tpu.memory_space<hbm>>
    %dma_start3A_44 = tpu.memref_squeeze %dma_start3A_43 : memref<1x4096xf32, #tpu.memory_space<hbm>> -> memref<4096xf32, #tpu.memory_space<hbm>>
    %dma_start3A_45 = arith.constant 0 : i32
    %dma_start3A_46 = tpu.memref_slice %arg7[%dma_start3A_35, %dma_start3A_45] : memref<2x4096xf32, #tpu.memory_space<vmem>> -> memref<1x4096xf32, #tpu.memory_space<vmem>>
    %dma_start3A_47 = tpu.memref_squeeze %dma_start3A_46 : memref<1x4096xf32, #tpu.memory_space<vmem>> -> memref<4096xf32, #tpu.memory_space<vmem>>
    tpu.enqueue_dma source(%dma_start3A_47 : memref<4096xf32, #tpu.memory_space<vmem>>) target(%dma_start3A_44 : memref<4096xf32, #tpu.memory_space<hbm>>) target_semaphore(%arg10 : memref<!tpu.dma_semaphore, #tpu.memory_space<semaphore_mem>>)
    %dma_wait3A_48 = arith.constant 0 : i32
    %dma_wait3A_49 = arith.constant 0 : i32
    %dma_wait3A_50 = tpu.memref_slice %arg7[%dma_wait3A_48, %dma_wait3A_49] : memref<2x4096xf32, #tpu.memory_space<vmem>> -> memref<1x4096xf32, #tpu.memory_space<vmem>>
    %dma_wait3A_51 = tpu.memref_squeeze %dma_wait3A_50 : memref<1x4096xf32, #tpu.memory_space<vmem>> -> memref<4096xf32, #tpu.memory_space<vmem>>
    %dma_wait3A_52 = arith.constant 0 : i32
    %dma_wait3A_53 = tpu.memref_slice %arg4[%add3A, %dma_wait3A_52] : memref<32x16384xf32, #tpu.memory_space<hbm>> -> memref<1x4096xf32, #tpu.memory_space<hbm>>
    %dma_wait3A_54 = tpu.memref_squeeze %dma_wait3A_53 : memref<1x4096xf32, #tpu.memory_space<hbm>> -> memref<4096xf32, #tpu.memory_space<hbm>>
    %dma_wait3A_55 = arith.constant 0 : i32
    %dma_wait3A_56 = tpu.memref_slice %arg4[%add3A, %dma_wait3A_55] : memref<32x16384xf32, #tpu.memory_space<hbm>> -> memref<1x4096xf32, #tpu.memory_space<hbm>>
    %dma_wait3A_57 = tpu.memref_squeeze %dma_wait3A_56 : memref<1x4096xf32, #tpu.memory_space<hbm>> -> memref<4096xf32, #tpu.memory_space<hbm>>
    %dma_wait3A_58 = arith.constant 0 : i32
    %dma_wait3A_59 = tpu.memref_slice %arg7[%dma_wait3A_48, %dma_wait3A_58] : memref<2x4096xf32, #tpu.memory_space<vmem>> -> memref<1x4096xf32, #tpu.memory_space<vmem>>
    %dma_wait3A_60 = tpu.memref_squeeze %dma_wait3A_59 : memref<1x4096xf32, #tpu.memory_space<vmem>> -> memref<4096xf32, #tpu.memory_space<vmem>>
    tpu.wait_dma2 semaphore(%arg9 : memref<!tpu.dma_semaphore, #tpu.memory_space<semaphore_mem>>) src(%dma_wait3A_60 : memref<4096xf32, #tpu.memory_space<vmem>>) dst(%dma_wait3A_57 : memref<4096xf32, #tpu.memory_space<hbm>>)
    %scan3A_61 = arith.constant 0 : i32
    %scan3A_62 = arith.constant 0 : i32
    %scan3A_63 = arith.constant 256 : i32
    %scan3A_64 = arith.addi %scan3A_62, %scan3A_63 : i32
    %scan3A_65 = arith.constant 1 : i32
    scf.for %scan3A_138 = %scan3A_62 to %scan3A_64 step %scan3A_65  : i32 {
      %mul3A_139 = arith.constant 16 : i32
      %mul3A_140 = arith.muli %scan3A_138, %mul3A_139 : i32
      %add3A_141 = arith.constant 8192 : i32
      %add3A_142 = arith.addi %add3A_141, %mul3A_140 : i32
      %get3A = arith.index_cast %add3A_142 : i32 to index
      %get3A_143 = tpu.vector_load %arg6[%get3A] {strides = array<i32>} : memref<16384xi32, #tpu.memory_space<vmem>>, vector<16xi32>,
      %gather3A = tpu.vector_load_idx %arg5[%get3A_143] : memref<100001xf32, #tpu.memory_space<vmem>>[vector<16xi32>], vector<16xf32>,
      %mul3A_144 = arith.constant 16 : i32
      %mul3A_145 = arith.muli %scan3A_138, %mul3A_144 : i32
      %swap3A = arith.constant 0 : i32
      %swap3A_146 = arith.index_cast %swap3A : i32 to index
      %swap3A_147 = arith.index_cast %mul3A_145 : i32 to index
      %swap3A_148 = tpu.vector_load %arg7[%swap3A_146, %swap3A_147] {strides = array<i32>} : memref<2x4096xf32, #tpu.memory_space<vmem>>, vector<16xf32>,
      tpu.vector_store %arg7[%swap3A_146, %swap3A_147], %gather3A {strides = array<i32>} : memref<2x4096xf32, #tpu.memory_space<vmem>>, vector<16xf32>,
    }
    %scan3A_66 = arith.constant 256 : i32
    %dma_start3A_67 = arith.constant 0 : i32
    %dma_start3A_68 = arith.constant 0 : i32
    %dma_start3A_69 = tpu.memref_slice %arg7[%dma_start3A_67, %dma_start3A_68] : memref<2x4096xf32, #tpu.memory_space<vmem>> -> memref<1x4096xf32, #tpu.memory_space<vmem>>
    %dma_start3A_70 = tpu.memref_squeeze %dma_start3A_69 : memref<1x4096xf32, #tpu.memory_space<vmem>> -> memref<4096xf32, #tpu.memory_space<vmem>>
    %dma_start3A_71 = arith.constant 8192 : i32
    %dma_start3A_72 = tpu.memref_slice %arg4[%add3A, %dma_start3A_71] : memref<32x16384xf32, #tpu.memory_space<hbm>> -> memref<1x4096xf32, #tpu.memory_space<hbm>>
    %dma_start3A_73 = tpu.memref_squeeze %dma_start3A_72 : memref<1x4096xf32, #tpu.memory_space<hbm>> -> memref<4096xf32, #tpu.memory_space<hbm>>
    %dma_start3A_74 = arith.constant 8192 : i32
    %dma_start3A_75 = tpu.memref_slice %arg4[%add3A, %dma_start3A_74] : memref<32x16384xf32, #tpu.memory_space<hbm>> -> memref<1x4096xf32, #tpu.memory_space<hbm>>
    %dma_start3A_76 = tpu.memref_squeeze %dma_start3A_75 : memref<1x4096xf32, #tpu.memory_space<hbm>> -> memref<4096xf32, #tpu.memory_space<hbm>>
    %dma_start3A_77 = arith.constant 0 : i32
    %dma_start3A_78 = tpu.memref_slice %arg7[%dma_start3A_67, %dma_start3A_77] : memref<2x4096xf32, #tpu.memory_space<vmem>> -> memref<1x4096xf32, #tpu.memory_space<vmem>>
    %dma_start3A_79 = tpu.memref_squeeze %dma_start3A_78 : memref<1x4096xf32, #tpu.memory_space<vmem>> -> memref<4096xf32, #tpu.memory_space<vmem>>
    tpu.enqueue_dma source(%dma_start3A_79 : memref<4096xf32, #tpu.memory_space<vmem>>) target(%dma_start3A_76 : memref<4096xf32, #tpu.memory_space<hbm>>) target_semaphore(%arg9 : memref<!tpu.dma_semaphore, #tpu.memory_space<semaphore_mem>>)
    %dma_wait3A_80 = arith.constant 1 : i32
    %dma_wait3A_81 = arith.constant 0 : i32
    %dma_wait3A_82 = tpu.memref_slice %arg7[%dma_wait3A_80, %dma_wait3A_81] : memref<2x4096xf32, #tpu.memory_space<vmem>> -> memref<1x4096xf32, #tpu.memory_space<vmem>>
    %dma_wait3A_83 = tpu.memref_squeeze %dma_wait3A_82 : memref<1x4096xf32, #tpu.memory_space<vmem>> -> memref<4096xf32, #tpu.memory_space<vmem>>
    %dma_wait3A_84 = arith.constant 4096 : i32
    %dma_wait3A_85 = tpu.memref_slice %arg4[%add3A, %dma_wait3A_84] : memref<32x16384xf32, #tpu.memory_space<hbm>> -> memref<1x4096xf32, #tpu.memory_space<hbm>>
    %dma_wait3A_86 = tpu.memref_squeeze %dma_wait3A_85 : memref<1x4096xf32, #tpu.memory_space<hbm>> -> memref<4096xf32, #tpu.memory_space<hbm>>
    %dma_wait3A_87 = arith.constant 4096 : i32
    %dma_wait3A_88 = tpu.memref_slice %arg4[%add3A, %dma_wait3A_87] : memref<32x16384xf32, #tpu.memory_space<hbm>> -> memref<1x4096xf32, #tpu.memory_space<hbm>>
    %dma_wait3A_89 = tpu.memref_squeeze %dma_wait3A_88 : memref<1x4096xf32, #tpu.memory_space<hbm>> -> memref<4096xf32, #tpu.memory_space<hbm>>
    %dma_wait3A_90 = arith.constant 0 : i32
    %dma_wait3A_91 = tpu.memref_slice %arg7[%dma_wait3A_80, %dma_wait3A_90] : memref<2x4096xf32, #tpu.memory_space<vmem>> -> memref<1x4096xf32, #tpu.memory_space<vmem>>
    %dma_wait3A_92 = tpu.memref_squeeze %dma_wait3A_91 : memref<1x4096xf32, #tpu.memory_space<vmem>> -> memref<4096xf32, #tpu.memory_space<vmem>>
    tpu.wait_dma2 semaphore(%arg10 : memref<!tpu.dma_semaphore, #tpu.memory_space<semaphore_mem>>) src(%dma_wait3A_92 : memref<4096xf32, #tpu.memory_space<vmem>>) dst(%dma_wait3A_89 : memref<4096xf32, #tpu.memory_space<hbm>>)
    %scan3A_93 = arith.constant 0 : i32
    %scan3A_94 = arith.constant 0 : i32
    %scan3A_95 = arith.constant 256 : i32
    %scan3A_96 = arith.addi %scan3A_94, %scan3A_95 : i32
    %scan3A_97 = arith.constant 1 : i32
    scf.for %scan3A_138 = %scan3A_94 to %scan3A_96 step %scan3A_97  : i32 {
      %mul3A_139 = arith.constant 16 : i32
      %mul3A_140 = arith.muli %scan3A_138, %mul3A_139 : i32
      %add3A_141 = arith.constant 12288 : i32
      %add3A_142 = arith.addi %add3A_141, %mul3A_140 : i32
      %get3A = arith.index_cast %add3A_142 : i32 to index
      %get3A_143 = tpu.vector_load %arg6[%get3A] {strides = array<i32>} : memref<16384xi32, #tpu.memory_space<vmem>>, vector<16xi32>,
      %gather3A = tpu.vector_load_idx %arg5[%get3A_143] : memref<100001xf32, #tpu.memory_space<vmem>>[vector<16xi32>], vector<16xf32>,
      %mul3A_144 = arith.constant 16 : i32
      %mul3A_145 = arith.muli %scan3A_138, %mul3A_144 : i32
      %swap3A = arith.constant 1 : i32
      %swap3A_146 = arith.index_cast %swap3A : i32 to index
      %swap3A_147 = arith.index_cast %mul3A_145 : i32 to index
      %swap3A_148 = tpu.vector_load %arg7[%swap3A_146, %swap3A_147] {strides = array<i32>} : memref<2x4096xf32, #tpu.memory_space<vmem>>, vector<16xf32>,
      tpu.vector_store %arg7[%swap3A_146, %swap3A_147], %gather3A {strides = array<i32>} : memref<2x4096xf32, #tpu.memory_space<vmem>>, vector<16xf32>,
    }
    %scan3A_98 = arith.constant 256 : i32
    %dma_start3A_99 = arith.constant 1 : i32
    %dma_start3A_100 = arith.constant 0 : i32
    %dma_start3A_101 = tpu.memref_slice %arg7[%dma_start3A_99, %dma_start3A_100] : memref<2x4096xf32, #tpu.memory_space<vmem>> -> memref<1x4096xf32, #tpu.memory_space<vmem>>
    %dma_start3A_102 = tpu.memref_squeeze %dma_start3A_101 : memref<1x4096xf32, #tpu.memory_space<vmem>> -> memref<4096xf32, #tpu.memory_space<vmem>>
    %dma_start3A_103 = arith.constant 12288 : i32
    %dma_start3A_104 = tpu.memref_slice %arg4[%add3A, %dma_start3A_103] : memref<32x16384xf32, #tpu.memory_space<hbm>> -> memref<1x4096xf32, #tpu.memory_space<hbm>>
    %dma_start3A_105 = tpu.memref_squeeze %dma_start3A_104 : memref<1x4096xf32, #tpu.memory_space<hbm>> -> memref<4096xf32, #tpu.memory_space<hbm>>
    %dma_start3A_106 = arith.constant 12288 : i32
    %dma_start3A_107 = tpu.memref_slice %arg4[%add3A, %dma_start3A_106] : memref<32x16384xf32, #tpu.memory_space<hbm>> -> memref<1x4096xf32, #tpu.memory_space<hbm>>
    %dma_start3A_108 = tpu.memref_squeeze %dma_start3A_107 : memref<1x4096xf32, #tpu.memory_space<hbm>> -> memref<4096xf32, #tpu.memory_space<hbm>>
    %dma_start3A_109 = arith.constant 0 : i32
    %dma_start3A_110 = tpu.memref_slice %arg7[%dma_start3A_99, %dma_start3A_109] : memref<2x4096xf32, #tpu.memory_space<vmem>> -> memref<1x4096xf32, #tpu.memory_space<vmem>>
    %dma_start3A_111 = tpu.memref_squeeze %dma_start3A_110 : memref<1x4096xf32, #tpu.memory_space<vmem>> -> memref<4096xf32, #tpu.memory_space<vmem>>
    tpu.enqueue_dma source(%dma_start3A_111 : memref<4096xf32, #tpu.memory_space<vmem>>) target(%dma_start3A_108 : memref<4096xf32, #tpu.memory_space<hbm>>) target_semaphore(%arg10 : memref<!tpu.dma_semaphore, #tpu.memory_space<semaphore_mem>>)
    %dma_wait3A_112 = arith.constant 0 : i32
    %dma_wait3A_113 = arith.constant 0 : i32
    %dma_wait3A_114 = tpu.memref_slice %arg7[%dma_wait3A_112, %dma_wait3A_113] : memref<2x4096xf32, #tpu.memory_space<vmem>> -> memref<1x4096xf32, #tpu.memory_space<vmem>>
    %dma_wait3A_115 = tpu.memref_squeeze %dma_wait3A_114 : memref<1x4096xf32, #tpu.memory_space<vmem>> -> memref<4096xf32, #tpu.memory_space<vmem>>
    %dma_wait3A_116 = arith.constant 8192 : i32
    %dma_wait3A_117 = tpu.memref_slice %arg4[%add3A, %dma_wait3A_116] : memref<32x16384xf32, #tpu.memory_space<hbm>> -> memref<1x4096xf32, #tpu.memory_space<hbm>>
    %dma_wait3A_118 = tpu.memref_squeeze %dma_wait3A_117 : memref<1x4096xf32, #tpu.memory_space<hbm>> -> memref<4096xf32, #tpu.memory_space<hbm>>
    %dma_wait3A_119 = arith.constant 8192 : i32
    %dma_wait3A_120 = tpu.memref_slice %arg4[%add3A, %dma_wait3A_119] : memref<32x16384xf32, #tpu.memory_space<hbm>> -> memref<1x4096xf32, #tpu.memory_space<hbm>>
    %dma_wait3A_121 = tpu.memref_squeeze %dma_wait3A_120 : memref<1x4096xf32, #tpu.memory_space<hbm>> -> memref<4096xf32, #tpu.memory_space<hbm>>
    %dma_wait3A_122 = arith.constant 0 : i32
    %dma_wait3A_123 = tpu.memref_slice %arg7[%dma_wait3A_112, %dma_wait3A_122] : memref<2x4096xf32, #tpu.memory_space<vmem>> -> memref<1x4096xf32, #tpu.memory_space<vmem>>
    %dma_wait3A_124 = tpu.memref_squeeze %dma_wait3A_123 : memref<1x4096xf32, #tpu.memory_space<vmem>> -> memref<4096xf32, #tpu.memory_space<vmem>>
    tpu.wait_dma2 semaphore(%arg9 : memref<!tpu.dma_semaphore, #tpu.memory_space<semaphore_mem>>) src(%dma_wait3A_124 : memref<4096xf32, #tpu.memory_space<vmem>>) dst(%dma_wait3A_121 : memref<4096xf32, #tpu.memory_space<hbm>>)
    %dma_wait3A_125 = arith.constant 1 : i32
    %dma_wait3A_126 = arith.constant 0 : i32
    %dma_wait3A_127 = tpu.memref_slice %arg7[%dma_wait3A_125, %dma_wait3A_126] : memref<2x4096xf32, #tpu.memory_space<vmem>> -> memref<1x4096xf32, #tpu.memory_space<vmem>>
    %dma_wait3A_128 = tpu.memref_squeeze %dma_wait3A_127 : memref<1x4096xf32, #tpu.memory_space<vmem>> -> memref<4096xf32, #tpu.memory_space<vmem>>
    %dma_wait3A_129 = arith.constant 12288 : i32
    %dma_wait3A_130 = tpu.memref_slice %arg4[%add3A, %dma_wait3A_129] : memref<32x16384xf32, #tpu.memory_space<hbm>> -> memref<1x4096xf32, #tpu.memory_space<hbm>>
    %dma_wait3A_131 = tpu.memref_squeeze %dma_wait3A_130 : memref<1x4096xf32, #tpu.memory_space<hbm>> -> memref<4096xf32, #tpu.memory_space<hbm>>
    %dma_wait3A_132 = arith.constant 12288 : i32
    %dma_wait3A_133 = tpu.memref_slice %arg4[%add3A, %dma_wait3A_132] : memref<32x16384xf32, #tpu.memory_space<hbm>> -> memref<1x4096xf32, #tpu.memory_space<hbm>>
    %dma_wait3A_134 = tpu.memref_squeeze %dma_wait3A_133 : memref<1x4096xf32, #tpu.memory_space<hbm>> -> memref<4096xf32, #tpu.memory_space<hbm>>
    %dma_wait3A_135 = arith.constant 0 : i32
    %dma_wait3A_136 = tpu.memref_slice %arg7[%dma_wait3A_125, %dma_wait3A_135] : memref<2x4096xf32, #tpu.memory_space<vmem>> -> memref<1x4096xf32, #tpu.memory_space<vmem>>
    %dma_wait3A_137 = tpu.memref_squeeze %dma_wait3A_136 : memref<1x4096xf32, #tpu.memory_space<vmem>> -> memref<4096xf32, #tpu.memory_space<vmem>>
    tpu.wait_dma2 semaphore(%arg10 : memref<!tpu.dma_semaphore, #tpu.memory_space<semaphore_mem>>) src(%dma_wait3A_137 : memref<4096xf32, #tpu.memory_space<vmem>>) dst(%dma_wait3A_134 : memref<4096xf32, #tpu.memory_space<hbm>>)
    return
  }
}

</mosaic_0001>

<sc_bundles>
// kernel: kernel.3.cloned.1.call-start
scs
__scs_entry_jumppad:
0x0: {  	(pc) =	sbr.rel $0x88, $3  }
0x1: {  	(tag) =	ssettag $0x0;
	lr =	simm.s32 $0x1  }
0x2: {  	[smem:$0x3F9F] =	sst lr;
	_ =	strace $0xD0000000  }
0x3: {  	_ = 	snop  }
0x4: {  	_ = 	snop  }
0x5: {  	_ = 	snop  }
0x6: {  	_ = 	snop  }
0x7: {  	_ = 	snop  }
__scs_overlays_trampoline_lowered:
0x8: {  	[smem:$0x3FAE] =	sst s0  }
0x9: {  	[smem:$0x3FAF] =	sst s1  }
0xa: {  	[smem:$0x3FB0] =	sst s2  }
0xb: {  	[smem:$0x3FB1] =	sst s3  }
0xc: {  	[smem:$0x3FB2] =	sst s4  }
0xd: {  	[smem:$0x3FB3] =	sst s5  }
0xe: {  	[smem:$0x3FB4] =	sst s6  }
0xf: {  	[smem:$0x3FB5] =	sst s7  }
0x10: {  	[smem:$0x3FB6] =	sst s8  }
0x11: {  	[smem:$0x3FB7] =	sst s9;
	s0 =	simm.s32 @!p0 $0x0  }
0x12: {  	s1 =	sld [smem:$0x3F9D];
	s0 =	simm.s32 @p0 $0x1  }
0x13: {  	[smem:$0x3FB8] =	sst s0;
	s0 =	simm.s32 @!p1 $0x0  }
0x14: {  	s2 =	sld [smem:$0x3F9C];
	s0 =	simm.s32 @p1 $0x1  }
0x15: {  	[smem:$0x3FB9] =	sst s0;
	s0 =	simm.s32 @!p2 $0x0  }
0x16: {  	s3 =	sld [smem:$0x3FDB];
	s0 =	simm.s32 @p2 $0x1  }
0x17: {  	s4 =	simm.s32 $0x1BF5;
	[smem:$0x3FBB] =	sst s0  }
0x18: {  	s0 =	sld [smem:$0x3F9E];
	_ =	swait.ge [sflag:s4], $0x0  }
0x19: {  	s7 =	sld [smem:$0x3F9F]  }
0x1a: {  	s8 =	sadd.s32 $0xFFFFE003, lr  }
0x1b: {  	s9 =	sadd.s32 $0xFFFFFEF7, lr;
	s5 =	simm.s32 $0xFFFFFFFF;
	p2 =	slt.u32 s8, $0xFFFFF086  }
0x1c: {  	p1 =	slt.u32 s9, $0xF7A;
	s5 =	simm.s32 @!p2 $0x0  }
0x1d: {  	s5 =	simm.s32 @p1 $0x1;
	p0 =	seq.s32 s7, s2  }
0x1e: {  	s7 =	smul.u32 @!p0 $0xF7A, s2;
	p2 =	seq.s32 @!p0 s5, $0x0  }
0x1f: {  	s9 =	smul.u32 $0xF7A, s1;
	s8 =	simm.s32 @!p0 $0x1BF5;
	p2 =	por !p2, p0  }
0x20: {  	[sflag:s8] =	ssyncset.s32 @!p0 $0xFFFFF086;
	s6 =	sadd.s32 @!p0 s3, s7;
	s7 =	simm.s32 @!p0 $0x108  }
0x21: {  	s3 =	sadd.s32 s3, s9;
	s6 =	sadd.s32 @!p0 $0x88, s6;
	s7 =	simm.s32 @p2 $0x1082  }
0x22: {  	[simem:s7], [sflag:s8] =	dma.local @!p0 [hbm:s6], $0xF7A  }
0x23: {  	s9 =	sor.u32 $0xD0000000, s2;
	s6 =	simm.s32 $0x108;
	_ =	swait.ge @!p0 [sflag:s8], $0x0  }
0x24: {  	s3 =	sadd.s32 $0x88, s3;
	s6 =	simm.s32 @!p1 $0x1082;
	[sflag:s4] =	ssyncset.s32 $0xFFFFF086  }
0x25: {  	[simem:s6], [sflag:s4] =	dma.local [hbm:s3], $0xF7A  }
0x26: {  	[smem:$0x3F9F] =	sst s1;
	(tag) =	ssettag s2;
	_ =	strace s9  }
0x27: {  	s1 =	sld [smem:$0x3FAF]  }
0x28: {  	s2 =	sld [smem:$0x3FB0]  }
0x29: {  	s4 =	sld [smem:$0x3FB2]  }
0x2a: {  	p0 =	seq.s32 s5, $0x0;
	s5 =	sld [smem:$0x3FB3]  }
0x2b: {  	s6 =	sld [smem:$0x3FB4]  }
0x2c: {  	s7 =	sld [smem:$0x3FB5]  }
0x2d: {  	s3 =	simm.s32 $0x108;
	s8 =	sld [smem:$0x3FB6]  }
0x2e: {  	s3 =	simm.s32 @!p0 $0x1082;
	s9 =	sld [smem:$0x3FB7]  }
0x2f: {  	lr =	sadd.s32 s0, s3;
	s0 =	sld [smem:$0x3FAE]  }
0x30: {  	s3 =	sld [smem:$0x3FB1]  }
0x31: {  	[smem:$0x3FBA] =	sst s10  }
0x32: {  	s10 =	sld [smem:$0x3FB8];
	_ =	sdelay $0x3  }
0x33: {  	p0 =	seq.s32 s10, $0x1;
	s10 =	sld [smem:$0x3FBA];
	_ =	sdelay $0x3  }
0x34: {  	[smem:$0x3FBA] =	sst s10  }
0x35: {  	s10 =	sld [smem:$0x3FB9];
	_ =	sdelay $0x3  }
0x36: {  	p1 =	seq.s32 s10, $0x1;
	s10 =	sld [smem:$0x3FBA];
	_ =	sdelay $0x3  }
0x37: {  	[smem:$0x3FBA] =	sst s10  }
0x38: {  	s10 =	sld [smem:$0x3FBB]  }
0x39: {  	_ = 	snop;
	(pc) =	sbr.ind lr, $3  }
0x3a: {  	_ = 	snop  }
0x3b: {  	_ = 	snop  }
0x3c: {  	p2 =	seq.s32 s10, $0x1;
	s10 =	sld [smem:$0x3FBA]  }
0x3d: {  	_ =	shalt  }
0x3e: {  	_ =	shalt  }
0x3f: {  	_ =	shalt  }
0x40: {  	_ =	shalt  }
0x41: {  	_ =	shalt  }
0x42: {  	_ =	shalt  }
0x43: {  	_ =	shalt  }
0x44: {  	_ =	shalt  }
0x45: {  	_ =	shalt  }
0x46: {  	_ =	shalt  }
0x47: {  	_ =	shalt  }
0x48: {  	_ =	shalt  }
0x49: {  	_ =	shalt  }
0x4a: {  	_ =	shalt  }
0x4b: {  	_ =	shalt  }
0x4c: {  	_ =	shalt  }
0x4d: {  	_ =	shalt  }
0x4e: {  	_ =	shalt  }
0x4f: {  	_ =	shalt  }
0x50: {  	_ =	shalt  }
0x51: {  	_ =	shalt  }
0x52: {  	_ =	shalt  }
0x53: {  	_ =	shalt  }
0x54: {  	_ =	shalt  }
0x55: {  	_ =	shalt  }
0x56: {  	_ =	shalt  }
0x57: {  	_ =	shalt  }
0x58: {  	_ =	shalt  }
0x59: {  	_ =	shalt  }
0x5a: {  	_ =	shalt  }
0x5b: {  	_ =	shalt  }
0x5c: {  	_ =	shalt  }
0x5d: {  	_ =	shalt  }
0x5e: {  	_ =	shalt  }
0x5f: {  	_ =	shalt  }
0x60: {  	_ =	shalt  }
0x61: {  	_ =	shalt  }
0x62: {  	_ =	shalt  }
0x63: {  	_ =	shalt  }
0x64: {  	_ =	shalt  }
0x65: {  	_ =	shalt  }
0x66: {  	_ =	shalt  }
0x67: {  	_ =	shalt  }
0x68: {  	_ =	shalt  }
0x69: {  	_ =	shalt  }
0x6a: {  	_ =	shalt  }
0x6b: {  	_ =	shalt  }
0x6c: {  	_ =	shalt  }
0x6d: {  	_ =	shalt  }
0x6e: {  	_ =	shalt  }
0x6f: {  	_ =	shalt  }
0x70: {  	_ =	shalt  }
0x71: {  	_ =	shalt  }
0x72: {  	_ =	shalt  }
0x73: {  	_ =	shalt  }
0x74: {  	_ =	shalt  }
0x75: {  	_ =	shalt  }
0x76: {  	_ =	shalt  }
0x77: {  	_ =	shalt  }
0x78: {  	_ =	shalt  }
0x79: {  	_ =	shalt  }
0x7a: {  	_ =	shalt  }
0x7b: {  	_ =	shalt  }
0x7c: {  	_ =	shalt  }
0x7d: {  	_ =	shalt  }
0x7e: {  	_ =	shalt  }
0x7f: {  	_ =	shalt  }
0x80: {  	_ =	shalt  }
0x81: {  	_ =	shalt  }
0x82: {  	_ =	shalt  }
0x83: {  	_ =	shalt  }
0x84: {  	_ =	shalt  }
0x85: {  	_ =	shalt  }
0x86: {  	_ =	shalt  }
0x87: {  	_ =	shalt  }
.Lfunc_end0:
.L_simem_size_0:
called_computation_lowered:
.L_overlay_start_0:
0x88: {  	s2 =	sld [smem:$0x3FD9]  }
0x89: {  	s3 =	sld [smem:$0x3FFE];
	_ =	sdelay $0x1  }
0x8a: {  	s1 =	srdreg.scid  }
0x8b: {  	s0 =	sand.u32 $0x1, s1  }
0x8c: {  	s18 =	sshll.u32 s0, $0xA;
	s2 =	sadd.s32 s3, s2  }
0x8d: {  	s2 =	sadd.s32 s2, s18  }
0x8e: {  	[smem:$0x3FC6] =	sst s2  }
0x8f: {  	_ = 	snop  }
0x90: {  	s2 =	sld [smem:$0x3FC9]  }
0x91: {  	s19 =	sld [smem:$0x3FC8]  }
0x92: {  	s4 =	sld [smem:$0x3FD0];
	(tm) =	ssettm $0x1  }
0x93: {  	s5 =	sld [smem:$0x3FFB];
	_ =	sdelay $0x3  }
0x94: {  	_ =	strace s5  }
0x95: {  	s5 =	sld [smem:$0x3FFC];
	_ =	sdelay $0x3  }
0x96: {  	_ =	strace s5  }
0x97: {  	s5 =	sld [smem:$0x3FFD];
	_ =	sdelay $0x3  }
0x98: {  	_ =	strace s5  }
0x99: {  	_ =	strace $0x8FFFFFFF  }
0x9a: {  	s20 =	sld [smem:$0x3FDB];
	_ =	sdelay $0x1  }
0x9b: {  	s6 =	simm.s32 $_scs_section_size  }
0x9c: {  	s7 =	simm.s32 $_size__tile_overlayer_lowered;
	s8 =	simm.s32 $_tile_overlayer_lowered  }
0x9d: {  	s23 =	simm.s32 $0x1BFF;
	s22 =	sshll.u32 s8, $0x1;
	s5 =	sadd.s32 s6, s20  }
0x9e: {  	s9 =	simm.s32 $0x0;
	s21 =	sshll.u32 s7, $0x1;
	s7 =	sadd.s32 s22, s5  }
0x9f: {  	[timem:s9], [sflag:s23] =	dma.local [hbm:s7], s21  }
0xa0: {  	_ =	swait.ge [sflag:s23], s21  }
0xa1: {  	s6 =	ssub.s32 $0x0, s21;
	[sflag:s23] =	ssyncset.done $0x0  }
0xa2: {  	[sflag:s23] =	ssyncadd.s32 s6;
	_ =	sdelay $0x1  }
0xa3: {  	s24 =	simm.s32 $0x1B8B  }
0xa4: {  	_ =	swait.ge [sflag:s24], $0x1  }
0xa5: {  	[sflag:s24] =	ssyncset.done $0x0  }
0xa6: {  	s25 =	simm.s32 $0x1B8E;
	[sflag:s24] =	ssyncadd.s32 $0xFFFFFFFF  }
0xa7: {  	s26 =	simm.s32 $execute0_lowered;
	[smem:$0x3FD2] =	sst s25  }
0xa8: {  	s6 =	sshll.u32 s26, $0x1;
	_ =	strace $0x80000046;
	[dreg:$0x1] =	wrdreg $0xFFFFFFFF  }
0xa9: {  	s28 =	simm.s32 $_size_execute0_lowered;
	s5 =	sadd.s32 s5, s6;
	[dreg:$0x0] =	wrdreg $0x0  }
0xaa: {  	s6 =	sshll.u32 s28, $0x1;
	[dreg:$0x2] =	wrdreg s5  }
0xab: {  	[dreg:$0x3] =	wrdreg s6  }
0xac: {  	[dreg:$0x4] =	wrdreg $0xC0  }
0xad: {  	_ =	task [dreg:s9], $0x5FFFF  }
0xae: {  	[dreg:$0x1] =	wrdreg $0xFFFFFFFF  }
0xaf: {  	[dreg:$0x0] =	wrdreg $0x60  }
0xb0: {  	[dreg:$0x2] =	wrdreg s19  }
0xb1: {  	[dreg:$0x3] =	wrdreg s2  }
0xb2: {  	[dreg:$0x4] =	wrdreg s4  }
0xb3: {  	[dreg:$0x5] =	wrdreg $0x9  }
0xb4: {  	_ =	task.clear_ibuf [dreg:s9], $0x6FFFF;
	_ =	strace $0x90000046  }
0xb5: {  	s29 =	simm.s32 $0x9;
	_ =	strace $0x80000048  }
0xb6: {  	_ =	swait.ge [sflag:s29], $0x1  }
0xb7: {  	[sflag:s29] =	ssyncadd.s32 $0xFFFFFFFF  }
0xb8: {  	_ =	strace $0x90000048  }
0xb9: {  	_ =	sfence  }
0xba: {  	s30 =	sld [smem:$0x0];
	_ =	sdelay $0x2  }
0xbb: {  	s31 =	sshll.u32 s1, $0xD;
	s1 =	sshrl.u32 s1, $0x2  }
0xbc: {  	s3 =	sand.u32 $0x4000, s31;
	s1 =	sadd.s32 s1, s30  }
0xbd: {  	s0 =	sor.u32 s3, s0;
	s1 =	sshll.u32 s1, $0x11  }
0xbe: {  	s0 =	sor.u32 s1, s0  }
0xbf: {  	s0 =	sadd.s32 $0x8F2B, s0  }
0xc0: {  	[sflag:s0] =	ssyncadd.remote.s32 $0x1  }
0xc1: {  	_ =	sfence.sel $0xFFFF  }
0xc2: {  	[dreg:$0x0] =	wrdreg $0xFFFFFFFF;
	(pc) =	sbr.abs _section_cstart, $3  }
0xc3: {  	[dreg:$0x1] =	wrdreg $0xFFFFFFFF  }
0xc4: {  	_ =	task.clear_ibuf [dreg:s9], $0x2FFFF;
	_ =	strace $0x9FFFFFFF  }
0xc5: {  	(tm) =	ssettm $0x7FFFFFFF  }
tec
execute0_lowered:
.L_overlay_start_1:
0x0: {  	(tag) =	ssettag $0x1  }
0x1: {  	s5 =	rddreg [dreg:$0x0]  }
0x2: {  	s1 =	rddreg [dreg:$0x1]  }
0x3: {  	s4 =	rddreg [dreg:$0x2]  }
0x4: {  	s0 =	rddreg [dreg:$0x3];
	s3 =	simm.s32 $0x0;
	s6 =	srdreg.scid  }
0x5: {  	s2 =	stileid.u32;
	s10 =	simm.s32 $0x80;
	s11 =	simm.s32 $0x400  }
0x6: {  	s12 =	simm.s32 $0x1;
	s13 =	simm.s32 $0x2;
	s14 =	simm.s32 $0x3  }
0x7: {  	s15 =	simm.s32 $0x0;
	[smem:$0x7FF] =	sst s3;
	s6 =	sand.u32 $0x1, s6  }
0x8: {  	s7 =	sshll.u32 s2, $0x8;
	s8 =	sshrl.u32 s2, $0x2;
	s9 =	sshll.u32 s6, $0x7  }
0x9: {  	s7 =	sand.u32 $0x300, s7;
	s30 =	smul.u32 $0xC3800, s8;
	s8 =	sshll.u32 s8, $0x11  }
0xa: {  	_ =	strace $0x80000047;
	s6 =	ssub.s32 $0x2, s6;
	s7 =	sor.u32 s9, s7  }
0xb: {  	s31 =	sshrl.u32 s6, $0x1;
	s8 =	sor.u32 s8, s7;
	s7 =	sor.u32 s30, s7  }
0xc: {  	s9 =	ssub.s32 s6, s31;
	s8 =	sshrl.u32 s8, $0x3;
	s7 =	sshrl.u32 s7, $0x3  }
0xd: {  	s9 =	smax.u32 s9, $0x1;
	s4 =	sadd.s32 s4, s8;
	s5 =	sadd.s32 s5, s7  }
0xe: {  	s6 =	sadd.s32 $0x1000, s4;
	s7 =	sadd.s32 $0x2000, s4;
	s8 =	sadd.s32 $0x3000, s4  }
.LBB2_1:
0xf: {  	[tilespmem:s3], [sflag:$0x1] =	stream.strided.gather [hbm4b:s5+s10], $0x18700, s11, s10, $0x38;
	[tilespmem:$0x1E700] =	vst v63  }
0x10: {  	s16 =	simm.s32 $0x18700  }
0x11: {  	[tilespmem:s16], [sflag:$0x1] =	stream.linear.gather [hbm4b:s1+s3], $0x4000, $0x38;
	[tilespmem:$0x1E700] =	vst v63  }
0x12: {  	_ =	swait.ge [sflag:s12], $0x18700  }
0x13: {  	[sflag:s12] =	ssyncset.done $0x0  }
0x14: {  	[sflag:s12] =	ssyncadd.s32 $0xFFFE7900  }
0x15: {  	_ =	swait.ge [sflag:s12], $0x4000  }
0x16: {  	[sflag:s12] =	ssyncset.done $0x0  }
0x17: {  	[sflag:s12] =	ssyncadd.s32 $0xFFFFC000  }
0x18: {  	v0 =	vld [tilespmem:s16+$0x0];
	_ =	sdelay $0x7  }
0x19: {  	v0 =	vld.idx.msk [tilespmem:v0+s3+$0x0], $0xffff;
	_ =	sdelay $0x2  }
0x1a: {  	s31 =	sand.u32 $0x70, s3;
	s17 =	sand.u32 $0x1F00, s3  }
0x1b: {  	s16 =	sor.u32 s31, s17  }
0x1c: {  	s17 =	simm.s32 $0x18710;
	[tilespmem:s16+$0x1C700] =	vst v0  }
0x1d: {  	s19 =	simm.s32 $0x20;
	s18 =	simm.s32 $0x0;
	s16 =	simm.s32 $0x10;
	v0 =	vld [tilespmem:s17+$0x0]  }
.LBB2_2:
0x1e: {  	p0 =	sne.s32 s19, $0xFF0;
	_ =	sdelay $0x6  }
0x1f: {  	v0 =	vld.idx.msk [tilespmem:v0+s3+$0x0], $0xffff;
	_ =	sdelay $0x2  }
.Ltmp0:
0x20: {  	s18 =	sadd.s32 $0x20, s18;
	(pc) =	sbr.rel @p0 .LBB2_2-.Ltmp0, $4  }
0x21: {  	s20 =	sand.u32 $0x70, s16;
	s16 =	smov.u32 s19;
	s21 =	sand.u32 $0x1F00, s18  }
0x22: {  	s20 =	sor.u32 s20, s21  }
0x23: {  	s17 =	sadd.s32 $0x10, s17;
	[tilespmem:s20+$0x1C700] =	vst v0  }
0x24: {  	s19 =	sadd.s32 $0x10, s19;
	v0 =	vld [tilespmem:s17+$0x0]  }
0x25: {  	_ =	sdelay $0x7  }
0x26: {  	v0 =	vld.idx.msk [tilespmem:v0+s3+$0x0], $0xffff;
	_ =	sdelay $0x1  }
0x27: {  	s17 =	sadd.s32 $0x20, s18  }
0x28: {  	s16 =	sand.u32 $0x70, s16;
	s17 =	sand.u32 $0x1F00, s17  }
0x29: {  	s18 =	simm.s32 $0x80;
	s20 =	sadd.s32 $0x0, s4;
	s31 =	sor.u32 s16, s17  }
0x2a: {  	s19 =	simm.s32 $0x1C800;
	s16 =	simm.s32 $0x0;
	s17 =	simm.s32 $0x1C700;
	[tilespmem:s31+$0x1C700] =	vst v0  }
.LBB2_4:
0x2b: {  	[hbm4b:s20+s16] =	stream.linear.scatter [tilespmem:s17], [sflag:$0x2], $0x80, $0x38;
	[tilespmem:$0x1E700] =	vst v63  }
0x2c: {  	s20 =	smov.u32 s18;
	s17 =	smov.u32 s19;
	p0 =	sne.s32 s18, $0xF80  }
.Ltmp1:
0x2d: {  	s18 =	sadd.s32 $0x80, s18;
	(pc) =	sbr.rel @p0 .LBB2_4-.Ltmp1, $2  }
0x2e: {  	_ =	sdelay $0x2  }
0x2f: {  	s19 =	sadd.s32 $0x100, s19;
	s20 =	sadd.s32 s20, s4  }
0x30: {  	[hbm4b:s20+s16] =	stream.linear.scatter [tilespmem:s17], [sflag:$0x2], $0x80, $0x38;
	[tilespmem:$0x1E700] =	vst v63  }
0x31: {  	s30 =	sand.u32 $0xFF0, s16  }
0x32: {  	v0 =	vld [tilespmem:s30+$0x19700];
	_ =	sdelay $0x7  }
0x33: {  	v0 =	vld.idx.msk [tilespmem:v0+s3+$0x0], $0xffff;
	_ =	sdelay $0x2  }
0x34: {  	s18 =	sand.u32 $0x70, s16;
	s19 =	sand.u32 $0x1F00, s16  }
0x35: {  	s17 =	simm.s32 $0x10;
	s31 =	sor.u32 s18, s19  }
0x36: {  	s19 =	sand.u32 $0xFF0, s17;
	s18 =	simm.s32 $0x20;
	[tilespmem:s31+$0x1C780] =	vst v0  }
.LBB2_6:
0x37: {  	p0 =	sne.s32 s18, $0xFF0;
	v0 =	vld [tilespmem:s19+$0x19700];
	_ =	sdelay $0x7  }
0x38: {  	v0 =	vld.idx.msk [tilespmem:v0+s3+$0x0], $0xffff;
	_ =	sdelay $0x1  }
.Ltmp2:
0x39: {  	(pc) =	sbr.rel @p0 .LBB2_6-.Ltmp2, $4  }
0x3a: {  	s16 =	sadd.s32 $0x20, s16  }
0x3b: {  	s19 =	sand.u32 $0x70, s17;
	s17 =	smov.u32 s18;
	s20 =	sand.u32 $0x1F00, s16  }
0x3c: {  	s20 =	sor.u32 s19, s20  }
0x3d: {  	s18 =	sadd.s32 $0x10, s18;
	s19 =	sand.u32 $0xFF0, s17;
	[tilespmem:s20+$0x1C780] =	vst v0  }
0x3e: {  	v0 =	vld [tilespmem:s19+$0x19700];
	_ =	sdelay $0x7  }
0x3f: {  	v0 =	vld.idx.msk [tilespmem:v0+s3+$0x0], $0xffff;
	_ =	sdelay $0x1  }
0x40: {  	s16 =	sadd.s32 $0x20, s16  }
0x41: {  	s17 =	sand.u32 $0x70, s17;
	s16 =	sand.u32 $0x1F00, s16  }
0x42: {  	s19 =	sadd.s32 $0x0, s6;
	s17 =	sor.u32 s17, s16  }
0x43: {  	s18 =	simm.s32 $0x1C880;
	s16 =	simm.s32 $0x1C780;
	[tilespmem:s17+$0x1C780] =	vst v0;
	s17 =	simm.s32 $0x80  }
.LBB2_8:
0x44: {  	[hbm4b:s19+s3] =	stream.linear.scatter [tilespmem:s16], [sflag:$0x3], $0x80, $0x38;
	[tilespmem:$0x1E700] =	vst v63  }
0x45: {  	s19 =	smov.u32 s17;
	s16 =	smov.u32 s18;
	p0 =	sne.s32 s17, $0xF80  }
.Ltmp3:
0x46: {  	s17 =	sadd.s32 $0x80, s17;
	(pc) =	sbr.rel @p0 .LBB2_8-.Ltmp3, $2  }
0x47: {  	_ =	sdelay $0x2  }
0x48: {  	s18 =	sadd.s32 $0x100, s18;
	s19 =	sadd.s32 s19, s6  }
0x49: {  	[hbm4b:s19+s3] =	stream.linear.scatter [tilespmem:s16], [sflag:$0x3], $0x80, $0x38;
	[tilespmem:$0x1E700] =	vst v63  }
0x4a: {  	_ =	swait.ge [sflag:s13], $0x1000  }
0x4b: {  	s16 =	simm.s32 $0x0;
	[sflag:s13] =	ssyncset.done $0x0  }
0x4c: {  	s17 =	sand.u32 $0xFF0, s16;
	[sflag:s13] =	ssyncadd.s32 $0xFFFFF000  }
0x4d: {  	v0 =	vld [tilespmem:s17+$0x1A700];
	_ =	sdelay $0x7  }
0x4e: {  	v0 =	vld.idx.msk [tilespmem:v0+s3+$0x0], $0xffff;
	_ =	sdelay $0x2  }
0x4f: {  	s18 =	sand.u32 $0x70, s16;
	s31 =	sand.u32 $0x1F00, s16  }
0x50: {  	s20 =	sor.u32 s18, s31;
	s17 =	simm.s32 $0x10  }
0x51: {  	s18 =	simm.s32 $0x20;
	s19 =	sand.u32 $0xFF0, s17;
	[tilespmem:s20+$0x1C700] =	vst v0  }
.LBB2_10:
0x52: {  	p0 =	sne.s32 s18, $0xFF0;
	v0 =	vld [tilespmem:s19+$0x1A700];
	_ =	sdelay $0x7  }
0x53: {  	v0 =	vld.idx.msk [tilespmem:v0+s3+$0x0], $0xffff;
	_ =	sdelay $0x1  }
.Ltmp4:
0x54: {  	(pc) =	sbr.rel @p0 .LBB2_10-.Ltmp4, $4  }
0x55: {  	s16 =	sadd.s32 $0x20, s16  }
0x56: {  	s19 =	sand.u32 $0x70, s17;
	s17 =	smov.u32 s18;
	s20 =	sand.u32 $0x1F00, s16  }
0x57: {  	s20 =	sor.u32 s19, s20  }
0x58: {  	s18 =	sadd.s32 $0x10, s18;
	s19 =	sand.u32 $0xFF0, s17;
	[tilespmem:s20+$0x1C700] =	vst v0  }
0x59: {  	v0 =	vld [tilespmem:s19+$0x1A700];
	_ =	sdelay $0x7  }
0x5a: {  	v0 =	vld.idx.msk [tilespmem:v0+s3+$0x0], $0xffff;
	_ =	sdelay $0x1  }
0x5b: {  	s16 =	sadd.s32 $0x20, s16  }
0x5c: {  	s17 =	sand.u32 $0x70, s17;
	s16 =	sand.u32 $0x1F00, s16  }
0x5d: {  	s19 =	sadd.s32 $0x0, s7;
	s17 =	sor.u32 s17, s16  }
0x5e: {  	s18 =	simm.s32 $0x1C800;
	s16 =	simm.s32 $0x1C700;
	[tilespmem:s17+$0x1C700] =	vst v0;
	s17 =	simm.s32 $0x80  }
.LBB2_12:
0x5f: {  	[hbm4b:s19+s3] =	stream.linear.scatter [tilespmem:s16], [sflag:$0x2], $0x80, $0x38;
	[tilespmem:$0x1E700] =	vst v63  }
0x60: {  	s19 =	smov.u32 s17;
	s16 =	smov.u32 s18;
	p0 =	sne.s32 s17, $0xF80  }
.Ltmp5:
0x61: {  	s17 =	sadd.s32 $0x80, s17;
	(pc) =	sbr.rel @p0 .LBB2_12-.Ltmp5, $2  }
0x62: {  	_ =	sdelay $0x2  }
0x63: {  	s18 =	sadd.s32 $0x100, s18;
	s19 =	sadd.s32 s19, s7  }
0x64: {  	[hbm4b:s19+s3] =	stream.linear.scatter [tilespmem:s16], [sflag:$0x2], $0x80, $0x38;
	[tilespmem:$0x1E700] =	vst v63  }
0x65: {  	_ =	swait.ge [sflag:s14], $0x1000  }
0x66: {  	s16 =	simm.s32 $0x0;
	[sflag:s14] =	ssyncset.done $0x0  }
0x67: {  	s17 =	sand.u32 $0xFF0, s16;
	[sflag:s14] =	ssyncadd.s32 $0xFFFFF000  }
0x68: {  	v0 =	vld [tilespmem:s17+$0x1B700];
	_ =	sdelay $0x7  }
0x69: {  	v0 =	vld.idx.msk [tilespmem:v0+s3+$0x0], $0xffff;
	_ =	sdelay $0x2  }
0x6a: {  	s18 =	sand.u32 $0x70, s16;
	s31 =	sand.u32 $0x1F00, s16  }
0x6b: {  	s20 =	sor.u32 s18, s31;
	s17 =	simm.s32 $0x10  }
0x6c: {  	s18 =	simm.s32 $0x20;
	s19 =	sand.u32 $0xFF0, s17;
	[tilespmem:s20+$0x1C780] =	vst v0  }
.LBB2_14:
0x6d: {  	p0 =	sne.s32 s18, $0xFF0;
	v0 =	vld [tilespmem:s19+$0x1B700];
	_ =	sdelay $0x7  }
0x6e: {  	v0 =	vld.idx.msk [tilespmem:v0+s3+$0x0], $0xffff;
	_ =	sdelay $0x1  }
.Ltmp6:
0x6f: {  	(pc) =	sbr.rel @p0 .LBB2_14-.Ltmp6, $4  }
0x70: {  	s16 =	sadd.s32 $0x20, s16  }
0x71: {  	s19 =	sand.u32 $0x70, s17;
	s17 =	smov.u32 s18;
	s20 =	sand.u32 $0x1F00, s16  }
0x72: {  	s20 =	sor.u32 s19, s20  }
0x73: {  	s18 =	sadd.s32 $0x10, s18;
	s19 =	sand.u32 $0xFF0, s17;
	[tilespmem:s20+$0x1C780] =	vst v0  }
0x74: {  	v0 =	vld [tilespmem:s19+$0x1B700];
	_ =	sdelay $0x7  }
0x75: {  	v0 =	vld.idx.msk [tilespmem:v0+s3+$0x0], $0xffff;
	_ =	sdelay $0x1  }
0x76: {  	s16 =	sadd.s32 $0x20, s16  }
0x77: {  	s17 =	sand.u32 $0x70, s17;
	s16 =	sand.u32 $0x1F00, s16  }
0x78: {  	s19 =	sadd.s32 $0x0, s8;
	s17 =	sor.u32 s17, s16  }
0x79: {  	s18 =	simm.s32 $0x1C880;
	s16 =	simm.s32 $0x1C780;
	[tilespmem:s17+$0x1C780] =	vst v0;
	s17 =	simm.s32 $0x80  }
.LBB2_16:
0x7a: {  	[hbm4b:s19+s3] =	stream.linear.scatter [tilespmem:s16], [sflag:$0x3], $0x80, $0x38;
	[tilespmem:$0x1E700] =	vst v63  }
0x7b: {  	s19 =	smov.u32 s17;
	s16 =	smov.u32 s18;
	p0 =	sne.s32 s17, $0xF80  }
.Ltmp7:
0x7c: {  	s17 =	sadd.s32 $0x80, s17;
	(pc) =	sbr.rel @p0 .LBB2_16-.Ltmp7, $2  }
0x7d: {  	_ =	sdelay $0x2  }
0x7e: {  	s18 =	sadd.s32 $0x100, s18;
	s19 =	sadd.s32 s19, s8  }
0x7f: {  	[hbm4b:s19+s3] =	stream.linear.scatter [tilespmem:s16], [sflag:$0x3], $0x80, $0x38;
	[tilespmem:$0x1E700] =	vst v63  }
0x80: {  	s15 =	sadd.s32 $0x1, s15  }
0x81: {  	_ =	swait.ge [sflag:s13], $0x1000;
	p0 =	sne.s32 s15, s9  }
.Ltmp8:
0x82: {  	[sflag:s13] =	ssyncset.done $0x0;
	(pc) =	sbr.rel @p0 .LBB2_1-.Ltmp8, $4  }
0x83: {  	[sflag:s13] =	ssyncadd.s32 $0xFFFFF000  }
0x84: {  	_ =	swait.ge [sflag:s14], $0x1000  }
0x85: {  	[sflag:s14] =	ssyncset.done $0x0  }
0x86: {  	[sflag:s14] =	ssyncadd.s32 $0xFFFFF000  }
0x87: {  	_ =	sfence.sel $0x180000  }
0x88: {  	[bflag:$0x0] =	sbarrier.arrive $0xFFFF  }
0x89: {  	p0 =	sne.s32 s2, $0x0;
	_ =	strace $0x90000047  }
0x8a: {  	s0 =	sadd.s32 @!p0 $0x100000, s0;
	[bflag:$0x2] =	sbarrier.arrive $0xFFFF  }
0x8b: {  	[sflag:s0] =	ssyncadd.tile.s32 @!p0 $0x1;
	_ =	shalt  }
.Lfunc_end2:
_tile_overlayer_lowered:
.L_overlay_start_2:
0x8c: {  	(tag) =	ssettag $0x2  }
0x8d: {  	s0 =	rddreg [dreg:$0x0];
	s2 =	stileid.u32  }
0x8e: {  	s1 =	rddreg [dreg:$0x1];
	p0 =	sne.s32 s2, $0x0  }
0x8f: {  	s3 =	rddreg [dreg:$0x2];
	[bflag:$0x3] =	sbarrier.arrive $0xFFFF;
	s2 =	simm.s32 @!p0 $0x1C04  }
0x90: {  	[timem:s3], [sflag:s2] =	dma.local @!p0 [hbm:s0], s1  }
0x91: {  	s0 =	simm.s32 @!p0 $0x4  }
0x92: {  	_ =	swait.ge @!p0 [sflag:s0], s1  }
0x93: {  	s1 =	ssub.s32 @!p0 $0x0, s1;
	[sflag:s0] =	ssyncset.done @!p0 $0x0  }
0x94: {  	[sflag:s0] =	ssyncadd.s32 @!p0 s1  }
0x95: {  	[bflag:$0x3] =	sbarrier.arrive $0xFFFF  }
0x96: {  	_ =	shalt  }

</sc_bundles>
